<compile_context>
chip_gen: v7x
topology: tpu7x:2x2x1
jax: 0.10.2.dev20260603
libtpu: 0.0.44.dev20260713+nightly
codegen_flags: <defaults>
</compile_context>

<pallas_src>
import functools

import jax
import jax.numpy as jnp
from jax import lax
from jax.experimental import pallas as pl
from jax.experimental.pallas import tpu as pltpu
from jax.experimental.pallas import tpu_sc as plsc

EMBED = 128
ROWS = 17
REP = 4
GROUPS = 50
DIM0 = 16384
NUM_WORKERS = 32
CPW = DIM0 // NUM_WORKERS
CHUNK = 128
QPJ = CPW // CHUNK


def _lookup(idx_hbm, table_hbm, out_hbm, idx_v, table_sh, s0, s1, s2, s3,
            gsem, wsem):
  sid = lax.axis_index("s")
  wid = sid * 2 + lax.axis_index("c")
  col0 = wid * CPW

  def load_table():
    for r in range(REP):
      pltpu.sync_copy(table_hbm, table_sh.at[pl.ds(r * ROWS, ROWS)])

  pl.when(sid == 0)(load_table)
  pltpu.sync_copy(idx_hbm.at[pl.ds(0, GROUPS), pl.ds(col0, CPW)], idx_v)

  rep_off = jnp.broadcast_to((sid % REP) * ROWS, (16,)).astype(jnp.int32)

  def adj(t, _):
    j = t // (CPW // 16)
    k = t % (CPW // 16)
    idx_v[j, pl.ds(k * 16, 16)] = idx_v[j, pl.ds(k * 16, 16)] + rep_off
    return 0

  lax.fori_loop(0, GROUPS * (CPW // 16), adj, 0)
  plsc.subcore_barrier()

  bufs = (s0, s1, s2, s3)

  def start_gather(b, j, q):
    pltpu.async_copy(
        table_sh.at[idx_v.at[j, pl.ds(q * CHUNK, CHUNK)]], bufs[b], gsem)

  def wait_gather(b):
    pltpu.make_async_copy(
        table_sh.at[idx_v.at[0, pl.ds(0, CHUNK)]], bufs[b], gsem).wait()

  def start_write(b, j, q):
    pltpu.async_copy(
        bufs[b], out_hbm.at[j, pl.ds(col0 + q * CHUNK, CHUNK)], wsem)

  def drain_write(b):
    pltpu.make_async_copy(
        bufs[b], out_hbm.at[0, pl.ds(0, CHUNK)], wsem).wait()

  for q in range(3):
    start_gather(q, 0, q)

  def row_body(j, _):
    for q in range(4):
      wait_gather(q)
      start_write(q, j, q)
      if q == 0:
        pl.when(j >= 1)(lambda: drain_write(0))
      else:
        drain_write(q - 1)
      nq = (q + 3) % 4
      nj = j + (q + 3) // 4
      pl.when(nj < GROUPS)(lambda nj=nj, nq=nq: start_gather(nq, nj, nq))
    return 0

  lax.fori_loop(0, GROUPS, row_body, 0)
  drain_write(3)


def kernel(group_idx, table):
  idx_t = jnp.transpose(group_idx)
  mesh = plsc.VectorSubcoreMesh(core_axis_name="c", subcore_axis_name="s")
  run = functools.partial(
      pl.kernel,
      out_type=jax.ShapeDtypeStruct((GROUPS, DIM0, EMBED), jnp.float32),
      mesh=mesh,
      compiler_params=pltpu.CompilerParams(needs_layout_passes=False),
      scratch_types=[
          pltpu.VMEM((GROUPS, CPW), jnp.int32),
          pltpu.VMEM_SHARED((REP * ROWS, EMBED), jnp.float32),
          pltpu.VMEM((CHUNK, EMBED), jnp.float32),
          pltpu.VMEM((CHUNK, EMBED), jnp.float32),
          pltpu.VMEM((CHUNK, EMBED), jnp.float32),
          pltpu.VMEM((CHUNK, EMBED), jnp.float32),
          pltpu.SemaphoreType.DMA,
          pltpu.SemaphoreType.DMA,
      ],
  )(_lookup)
  out_t = run(idx_t, table)
  return jnp.transpose(out_t, (1, 0, 2))

# --- scband reference (transcript-rebuilt; emitter-appended) ---
"""Pipeline reference for scband-group-embedding-86629490360745 (READ-ONLY COPY).

The authoritative reference and input builder live on the scoring server;
editing this copy changes nothing except your own understanding.
"""

import jax, jax.numpy as jnp
import numpy as np

EMBED_DIM = 128
NUM_GROUPS = 17

def setup_inputs(seed: int = 0) -> dict:
    key = jax.random.key(seed)
    k1, k2 = jax.random.split(key)
    group_idx = jax.random.randint(k1, (16384, 50), 0, NUM_GROUPS, dtype=jnp.int64 if jax.config.read('jax_enable_x64') else jnp.int32).astype(jnp.int32)
    table = jax.random.normal(k2, (NUM_GROUPS, EMBED_DIM), dtype=jnp.float32)
    return {"group_idx": group_idx, "table": table}

def reference(group_idx, table):
    # GroupEmbedding.forward: nn.Embedding lookup -> gather rows of the table
    return jnp.take(table, group_idx, axis=0)

if __name__ == "__main__":
    import jax
    _d = setup_inputs()
    print(jax.jit(kernel)(*tuple(_d.values())))

</pallas_src>

<mosaic_0001>
#map = affine_map<(d0, d1) -> (0, 0)>
#map1 = affine_map<(d0, d1) -> (0, 0, 0)>
module attributes {stable_mosaic.version = 14 : i64} {
  func.func @_lookup(%arg0: i32, %arg1: i32, %arg2: memref<50x16384xi32, #tpu.memory_space<hbm>>, %arg3: memref<17x128xf32, #tpu.memory_space<hbm>>, %arg4: memref<50x16384x128xf32, #tpu.memory_space<hbm>>, %arg5: memref<50x512xi32, #tpu.memory_space<vmem>>, %arg6: memref<68x128xf32, #tpu.memory_space<vmem_shared>>, %arg7: memref<128x128xf32, #tpu.memory_space<vmem>>, %arg8: memref<128x128xf32, #tpu.memory_space<vmem>>, %arg9: memref<128x128xf32, #tpu.memory_space<vmem>>, %arg10: memref<128x128xf32, #tpu.memory_space<vmem>>, %arg11: memref<!tpu.dma_semaphore, #tpu.memory_space<semaphore_mem>>, %arg12: memref<!tpu.dma_semaphore, #tpu.memory_space<semaphore_mem>>) attributes {dimension_semantics = [#tpu.dimension_semantics<core_parallel>, #tpu.dimension_semantics<subcore_parallel>], iteration_bounds = array<i64: 2, 16>, scalar_prefetch = 0 : i64, scratch_operands = 8 : i64, tpu.core_type = #tpu.core_type<sc_vector_subcore>, window_params = [{transform_indices = #map}, {transform_indices = #map}, {transform_indices = #map1}]} {
    %mul3A = arith.constant 2 : i32
    %mul3A_0 = arith.muli %arg1, %mul3A : i32
    %add3A = arith.addi %mul3A_0, %arg0 : i32
    %mul3A_1 = arith.constant 512 : i32
    %mul3A_2 = arith.muli %add3A, %mul3A_1 : i32
    %eq3A = arith.constant 0 : i32
    %eq3A_3 = arith.cmpi eq, %arg1, %eq3A : i32
    %convert_element_type3A = arith.extui %eq3A_3 : i1 to i32
    %cond3A = arith.constant 0 : i32
    %cond3A_4 = arith.cmpi ne, %convert_element_type3A, %cond3A : i32
    scf.if %cond3A_4 {
      "tpu.region"() ({
        %run_scoped3A = tpu.sem_alloc : memref<!tpu.dma_semaphore, #tpu.memory_space<semaphore_mem>>
        %dma_start3A_58 = arith.constant 0 : i32
        %dma_start3A_59 = arith.constant 0 : i32
        %dma_start3A_60 = tpu.memref_slice %arg6[%dma_start3A_58, %dma_start3A_59] : memref<68x128xf32, #tpu.memory_space<vmem_shared>> -> memref<17x128xf32, #tpu.memory_space<vmem_shared>>
        tpu.enqueue_dma source(%arg3 : memref<17x128xf32, #tpu.memory_space<hbm>>) target(%dma_start3A_60 : memref<17x128xf32, #tpu.memory_space<vmem_shared>>) target_semaphore(%run_scoped3A : memref<!tpu.dma_semaphore, #tpu.memory_space<semaphore_mem>>)
        %dma_wait3A_61 = arith.constant 0 : i32
        %dma_wait3A_62 = arith.constant 0 : i32
        %dma_wait3A_63 = tpu.memref_slice %arg6[%dma_wait3A_61, %dma_wait3A_62] : memref<68x128xf32, #tpu.memory_space<vmem_shared>> -> memref<17x128xf32, #tpu.memory_space<vmem_shared>>
        tpu.wait_dma2 semaphore(%run_scoped3A : memref<!tpu.dma_semaphore, #tpu.memory_space<semaphore_mem>>) src(%arg3 : memref<17x128xf32, #tpu.memory_space<hbm>>) dst(%dma_wait3A_63 : memref<17x128xf32, #tpu.memory_space<vmem_shared>>)
        tpu.yield
      }) : () -> ()
      "tpu.region"() ({
        %run_scoped3A = tpu.sem_alloc : memref<!tpu.dma_semaphore, #tpu.memory_space<semaphore_mem>>
        %dma_start3A_58 = arith.constant 17 : i32
        %dma_start3A_59 = arith.constant 0 : i32
        %dma_start3A_60 = tpu.memref_slice %arg6[%dma_start3A_58, %dma_start3A_59] : memref<68x128xf32, #tpu.memory_space<vmem_shared>> -> memref<17x128xf32, #tpu.memory_space<vmem_shared>>
        tpu.enqueue_dma source(%arg3 : memref<17x128xf32, #tpu.memory_space<hbm>>) target(%dma_start3A_60 : memref<17x128xf32, #tpu.memory_space<vmem_shared>>) target_semaphore(%run_scoped3A : memref<!tpu.dma_semaphore, #tpu.memory_space<semaphore_mem>>)
        %dma_wait3A_61 = arith.constant 17 : i32
        %dma_wait3A_62 = arith.constant 0 : i32
        %dma_wait3A_63 = tpu.memref_slice %arg6[%dma_wait3A_61, %dma_wait3A_62] : memref<68x128xf32, #tpu.memory_space<vmem_shared>> -> memref<17x128xf32, #tpu.memory_space<vmem_shared>>
        tpu.wait_dma2 semaphore(%run_scoped3A : memref<!tpu.dma_semaphore, #tpu.memory_space<semaphore_mem>>) src(%arg3 : memref<17x128xf32, #tpu.memory_space<hbm>>) dst(%dma_wait3A_63 : memref<17x128xf32, #tpu.memory_space<vmem_shared>>)
        tpu.yield
      }) : () -> ()
      "tpu.region"() ({
        %run_scoped3A = tpu.sem_alloc : memref<!tpu.dma_semaphore, #tpu.memory_space<semaphore_mem>>
        %dma_start3A_58 = arith.constant 34 : i32
        %dma_start3A_59 = arith.constant 0 : i32
        %dma_start3A_60 = tpu.memref_slice %arg6[%dma_start3A_58, %dma_start3A_59] : memref<68x128xf32, #tpu.memory_space<vmem_shared>> -> memref<17x128xf32, #tpu.memory_space<vmem_shared>>
        tpu.enqueue_dma source(%arg3 : memref<17x128xf32, #tpu.memory_space<hbm>>) target(%dma_start3A_60 : memref<17x128xf32, #tpu.memory_space<vmem_shared>>) target_semaphore(%run_scoped3A : memref<!tpu.dma_semaphore, #tpu.memory_space<semaphore_mem>>)
        %dma_wait3A_61 = arith.constant 34 : i32
        %dma_wait3A_62 = arith.constant 0 : i32
        %dma_wait3A_63 = tpu.memref_slice %arg6[%dma_wait3A_61, %dma_wait3A_62] : memref<68x128xf32, #tpu.memory_space<vmem_shared>> -> memref<17x128xf32, #tpu.memory_space<vmem_shared>>
        tpu.wait_dma2 semaphore(%run_scoped3A : memref<!tpu.dma_semaphore, #tpu.memory_space<semaphore_mem>>) src(%arg3 : memref<17x128xf32, #tpu.memory_space<hbm>>) dst(%dma_wait3A_63 : memref<17x128xf32, #tpu.memory_space<vmem_shared>>)
        tpu.yield
      }) : () -> ()
      "tpu.region"() ({
        %run_scoped3A = tpu.sem_alloc : memref<!tpu.dma_semaphore, #tpu.memory_space<semaphore_mem>>
        %dma_start3A_58 = arith.constant 51 : i32
        %dma_start3A_59 = arith.constant 0 : i32
        %dma_start3A_60 = tpu.memref_slice %arg6[%dma_start3A_58, %dma_start3A_59] : memref<68x128xf32, #tpu.memory_space<vmem_shared>> -> memref<17x128xf32, #tpu.memory_space<vmem_shared>>
        tpu.enqueue_dma source(%arg3 : memref<17x128xf32, #tpu.memory_space<hbm>>) target(%dma_start3A_60 : memref<17x128xf32, #tpu.memory_space<vmem_shared>>) target_semaphore(%run_scoped3A : memref<!tpu.dma_semaphore, #tpu.memory_space<semaphore_mem>>)
        %dma_wait3A_61 = arith.constant 51 : i32
        %dma_wait3A_62 = arith.constant 0 : i32
        %dma_wait3A_63 = tpu.memref_slice %arg6[%dma_wait3A_61, %dma_wait3A_62] : memref<68x128xf32, #tpu.memory_space<vmem_shared>> -> memref<17x128xf32, #tpu.memory_space<vmem_shared>>
        tpu.wait_dma2 semaphore(%run_scoped3A : memref<!tpu.dma_semaphore, #tpu.memory_space<semaphore_mem>>) src(%arg3 : memref<17x128xf32, #tpu.memory_space<hbm>>) dst(%dma_wait3A_63 : memref<17x128xf32, #tpu.memory_space<vmem_shared>>)
        tpu.yield
      }) : () -> ()
    } else {
    }
    "tpu.region"() ({
      %run_scoped3A = tpu.sem_alloc : memref<!tpu.dma_semaphore, #tpu.memory_space<semaphore_mem>>
      %dma_start3A_58 = arith.constant 0 : i32
      %dma_start3A_59 = tpu.memref_slice %arg2[%dma_start3A_58, %mul3A_2] : memref<50x16384xi32, #tpu.memory_space<hbm>> -> memref<50x512xi32, #tpu.memory_space<hbm>>
      %dma_start3A_60 = arith.constant 0 : i32
      %dma_start3A_61 = tpu.memref_slice %arg2[%dma_start3A_60, %mul3A_2] : memref<50x16384xi32, #tpu.memory_space<hbm>> -> memref<50x512xi32, #tpu.memory_space<hbm>>
      tpu.enqueue_dma source(%dma_start3A_61 : memref<50x512xi32, #tpu.memory_space<hbm>>) target(%arg5 : memref<50x512xi32, #tpu.memory_space<vmem>>) target_semaphore(%run_scoped3A : memref<!tpu.dma_semaphore, #tpu.memory_space<semaphore_mem>>)
      %dma_wait3A_62 = arith.constant 0 : i32
      %dma_wait3A_63 = tpu.memref_slice %arg2[%dma_wait3A_62, %mul3A_2] : memref<50x16384xi32, #tpu.memory_space<hbm>> -> memref<50x512xi32, #tpu.memory_space<hbm>>
      %dma_wait3A_64 = arith.constant 0 : i32
      %dma_wait3A_65 = tpu.memref_slice %arg2[%dma_wait3A_64, %mul3A_2] : memref<50x16384xi32, #tpu.memory_space<hbm>> -> memref<50x512xi32, #tpu.memory_space<hbm>>
      tpu.wait_dma2 semaphore(%run_scoped3A : memref<!tpu.dma_semaphore, #tpu.memory_space<semaphore_mem>>) src(%dma_wait3A_65 : memref<50x512xi32, #tpu.memory_space<hbm>>) dst(%arg5 : memref<50x512xi32, #tpu.memory_space<vmem>>)
      tpu.yield
    }) : () -> ()
    %jit3A = arith.constant 4 : i32
    %eq3A_5 = arith.constant 0 : i32
    %eq3A_6 = arith.cmpi eq, %jit3A, %eq3A_5 : i32
    %jit3A_7 = arith.constant 1 : i32
    %select_n3A = arith.select %eq3A_6, %jit3A_7, %jit3A : i32
    %rem3A = arith.remsi %arg1, %select_n3A : i32
    %ne3A = arith.constant 0 : i32
    %ne3A_8 = arith.cmpi ne, %rem3A, %ne3A : i32
    %lt3A = arith.constant 0 : i32
    %lt3A_9 = arith.cmpi slt, %rem3A, %lt3A : i32
    %lt3A_10 = arith.constant 0 : i32
    %lt3A_11 = arith.cmpi slt, %select_n3A, %lt3A_10 : i32
    %ne3A_12 = arith.xori %lt3A_9, %lt3A_11 : i1
    %and3A = arith.andi %ne3A_12, %ne3A_8 : i1
    %add3A_13 = arith.addi %rem3A, %select_n3A : i32
    %select_n3A_14 = arith.select %and3A, %add3A_13, %rem3A : i32
    %mul3A_15 = arith.constant 17 : i32
    %mul3A_16 = arith.muli %select_n3A_14, %mul3A_15 : i32
    %broadcast_in_dim3A = vector.broadcast %mul3A_16 : i32 to vector<16xi32>
    %scan3A = arith.constant 0 : i32
    %scan3A_17 = arith.constant 0 : i32
    %scan3A_18 = arith.constant 1600 : i32
    %scan3A_19 = arith.addi %scan3A_17, %scan3A_18 : i32
    %scan3A_20 = arith.constant 1 : i32
    %scan3A_21 = scf.for %scan3A_58 = %scan3A_17 to %scan3A_19 step %scan3A_20 iter_args(%scan3A_59 = %scan3A) -> (i32)  : i32 {
      %jit3A_60 = arith.constant 32 : i32
      %div3A = arith.divsi %scan3A_58, %jit3A_60 : i32
      %sign3A = arith.constant 0 : i32
      %sign3A_61 = arith.cmpi sgt, %scan3A_58, %sign3A : i32
      %sign3A_62 = arith.extui %sign3A_61 : i1 to i32
      %sign3A_63 = arith.constant 0 : i32
      %sign3A_64 = arith.cmpi slt, %scan3A_58, %sign3A_63 : i32
      %sign3A_65 = arith.extui %sign3A_64 : i1 to i32
      %sign3A_66 = arith.subi %sign3A_62, %sign3A_65 : i32
      %sign3A_67 = arith.constant 0 : i32
      %sign3A_68 = arith.cmpi sgt, %jit3A_60, %sign3A_67 : i32
      %sign3A_69 = arith.extui %sign3A_68 : i1 to i32
      %sign3A_70 = arith.constant 0 : i32
      %sign3A_71 = arith.cmpi slt, %jit3A_60, %sign3A_70 : i32
      %sign3A_72 = arith.extui %sign3A_71 : i1 to i32
      %sign3A_73 = arith.subi %sign3A_69, %sign3A_72 : i32
      %ne3A_74 = arith.cmpi ne, %sign3A_66, %sign3A_73 : i32
      %rem3A_75 = arith.remsi %scan3A_58, %jit3A_60 : i32
      %ne3A_76 = arith.constant 0 : i32
      %ne3A_77 = arith.cmpi ne, %rem3A_75, %ne3A_76 : i32
      %and3A_78 = arith.andi %ne3A_74, %ne3A_77 : i1
      %sub3A = arith.constant 1 : i32
      %sub3A_79 = arith.subi %div3A, %sub3A : i32
      %select_n3A_80 = arith.select %and3A_78, %sub3A_79, %div3A : i32
      %jit3A_81 = arith.constant 32 : i32
      %eq3A_82 = arith.constant 0 : i32
      %eq3A_83 = arith.cmpi eq, %jit3A_81, %eq3A_82 : i32
      %jit3A_84 = arith.constant 1 : i32
      %select_n3A_85 = arith.select %eq3A_83, %jit3A_84, %jit3A_81 : i32
      %rem3A_86 = arith.remsi %scan3A_58, %select_n3A_85 : i32
      %ne3A_87 = arith.constant 0 : i32
      %ne3A_88 = arith.cmpi ne, %rem3A_86, %ne3A_87 : i32
      %lt3A_89 = arith.constant 0 : i32
      %lt3A_90 = arith.cmpi slt, %rem3A_86, %lt3A_89 : i32
      %lt3A_91 = arith.constant 0 : i32
      %lt3A_92 = arith.cmpi slt, %select_n3A_85, %lt3A_91 : i32
      %ne3A_93 = arith.xori %lt3A_90, %lt3A_92 : i1
      %and3A_94 = arith.andi %ne3A_93, %ne3A_88 : i1
      %add3A_95 = arith.addi %rem3A_86, %select_n3A_85 : i32
      %select_n3A_96 = arith.select %and3A_94, %add3A_95, %rem3A_86 : i32
      %mul3A_97 = arith.constant 16 : i32
      %mul3A_98 = arith.muli %select_n3A_96, %mul3A_97 : i32
      %get3A = arith.index_cast %select_n3A_80 : i32 to index
      %get3A_99 = arith.index_cast %mul3A_98 : i32 to index
      %get3A_100 = tpu.vector_load %arg5[%get3A, %get3A_99] {strides = array<i32>} : memref<50x512xi32, #tpu.memory_space<vmem>>, vector<16xi32>,
      %add3A_101 = arith.addi %get3A_100, %broadcast_in_dim3A : vector<16xi32>
      %mul3A_102 = arith.constant 16 : i32
      %mul3A_103 = arith.muli %select_n3A_96, %mul3A_102 : i32
      %swap3A = arith.index_cast %select_n3A_80 : i32 to index
      %swap3A_104 = arith.index_cast %mul3A_103 : i32 to index
      %swap3A_105 = tpu.vector_load %arg5[%swap3A, %swap3A_104] {strides = array<i32>} : memref<50x512xi32, #tpu.memory_space<vmem>>, vector<16xi32>,
      tpu.vector_store %arg5[%swap3A, %swap3A_104], %add3A_101 {strides = array<i32>} : memref<50x512xi32, #tpu.memory_space<vmem>>, vector<16xi32>,
      %scan3A_106 = arith.constant 0 : i32
      scf.yield %scan3A_106 : i32
    }
    %scan3A_22 = arith.constant 1600 : i32
    %barrier3A = arith.constant 0 : index
    tpu.barrier barrier_id(%barrier3A)
    %dma_start3A = arith.constant 0 : i32
    %dma_start3A_23 = arith.constant 0 : i32
    %dma_start3A_24 = tpu.memref_slice %arg5[%dma_start3A, %dma_start3A_23] : memref<50x512xi32, #tpu.memory_space<vmem>> -> memref<1x128xi32, #tpu.memory_space<vmem>>
    %dma_start3A_25 = tpu.memref_squeeze %dma_start3A_24 : memref<1x128xi32, #tpu.memory_space<vmem>> -> memref<128xi32, #tpu.memory_space<vmem>>
    %dma_start3A_26 = arith.constant 0 : i32
    %dma_start3A_27 = arith.constant 0 : i32
    %dma_start3A_28 = tpu.memref_slice %arg6[%dma_start3A_26, %dma_start3A_27] : memref<68x128xf32, #tpu.memory_space<vmem_shared>> -> memref<68x128xf32, #tpu.memory_space<vmem_shared>>
    tpu.enqueue_indirect_dma source(%dma_start3A_28 : memref<68x128xf32, #tpu.memory_space<vmem_shared>>) target(%arg7 : memref<128x128xf32, #tpu.memory_space<vmem>>) offsets(%dma_start3A_25 : memref<128xi32, #tpu.memory_space<vmem>>) semaphore(%arg11 : memref<!tpu.dma_semaphore, #tpu.memory_space<semaphore_mem>>)
    %dma_start3A_29 = arith.constant 0 : i32
    %dma_start3A_30 = arith.constant 128 : i32
    %dma_start3A_31 = tpu.memref_slice %arg5[%dma_start3A_29, %dma_start3A_30] : memref<50x512xi32, #tpu.memory_space<vmem>> -> memref<1x128xi32, #tpu.memory_space<vmem>>
    %dma_start3A_32 = tpu.memref_squeeze %dma_start3A_31 : memref<1x128xi32, #tpu.memory_space<vmem>> -> memref<128xi32, #tpu.memory_space<vmem>>
    %dma_start3A_33 = arith.constant 0 : i32
    %dma_start3A_34 = arith.constant 0 : i32
    %dma_start3A_35 = tpu.memref_slice %arg6[%dma_start3A_33, %dma_start3A_34] : memref<68x128xf32, #tpu.memory_space<vmem_shared>> -> memref<68x128xf32, #tpu.memory_space<vmem_shared>>
    tpu.enqueue_indirect_dma source(%dma_start3A_35 : memref<68x128xf32, #tpu.memory_space<vmem_shared>>) target(%arg8 : memref<128x128xf32, #tpu.memory_space<vmem>>) offsets(%dma_start3A_32 : memref<128xi32, #tpu.memory_space<vmem>>) semaphore(%arg11 : memref<!tpu.dma_semaphore, #tpu.memory_space<semaphore_mem>>)
    %dma_start3A_36 = arith.constant 0 : i32
    %dma_start3A_37 = arith.constant 256 : i32
    %dma_start3A_38 = tpu.memref_slice %arg5[%dma_start3A_36, %dma_start3A_37] : memref<50x512xi32, #tpu.memory_space<vmem>> -> memref<1x128xi32, #tpu.memory_space<vmem>>
    %dma_start3A_39 = tpu.memref_squeeze %dma_start3A_38 : memref<1x128xi32, #tpu.memory_space<vmem>> -> memref<128xi32, #tpu.memory_space<vmem>>
    %dma_start3A_40 = arith.constant 0 : i32
    %dma_start3A_41 = arith.constant 0 : i32
    %dma_start3A_42 = tpu.memref_slice %arg6[%dma_start3A_40, %dma_start3A_41] : memref<68x128xf32, #tpu.memory_space<vmem_shared>> -> memref<68x128xf32, #tpu.memory_space<vmem_shared>>
    tpu.enqueue_indirect_dma source(%dma_start3A_42 : memref<68x128xf32, #tpu.memory_space<vmem_shared>>) target(%arg9 : memref<128x128xf32, #tpu.memory_space<vmem>>) offsets(%dma_start3A_39 : memref<128xi32, #tpu.memory_space<vmem>>) semaphore(%arg11 : memref<!tpu.dma_semaphore, #tpu.memory_space<semaphore_mem>>)
    %scan3A_43 = arith.constant 0 : i32
    %scan3A_44 = arith.constant 0 : i32
    %scan3A_45 = arith.constant 50 : i32
    %scan3A_46 = arith.addi %scan3A_44, %scan3A_45 : i32
    %scan3A_47 = arith.constant 1 : i32
    %scan3A_48 = scf.for %scan3A_58 = %scan3A_44 to %scan3A_46 step %scan3A_47 iter_args(%scan3A_59 = %scan3A_43) -> (i32)  : i32 {
      %dma_wait3A_60 = arith.constant 0 : i32
      %dma_wait3A_61 = arith.constant 0 : i32
      %dma_wait3A_62 = tpu.memref_slice %arg5[%dma_wait3A_60, %dma_wait3A_61] : memref<50x512xi32, #tpu.memory_space<vmem>> -> memref<1x128xi32, #tpu.memory_space<vmem>>
      %dma_wait3A_63 = tpu.memref_squeeze %dma_wait3A_62 : memref<1x128xi32, #tpu.memory_space<vmem>> -> memref<128xi32, #tpu.memory_space<vmem>>
      %dma_wait3A_64 = arith.constant 0 : i32
      %dma_wait3A_65 = arith.constant 0 : i32
      %dma_wait3A_66 = tpu.memref_slice %arg6[%dma_wait3A_64, %dma_wait3A_65] : memref<68x128xf32, #tpu.memory_space<vmem_shared>> -> memref<68x128xf32, #tpu.memory_space<vmem_shared>>
      tpu.wait_indirect_dma semaphore(%arg11 : memref<!tpu.dma_semaphore, #tpu.memory_space<semaphore_mem>>) src(%dma_wait3A_66 : memref<68x128xf32, #tpu.memory_space<vmem_shared>>) dst(%arg7 : memref<128x128xf32, #tpu.memory_space<vmem>>)
      %add3A_67 = arith.constant 0 : i32
      %add3A_68 = arith.addi %mul3A_2, %add3A_67 : i32
      %dma_start3A_69 = arith.constant 0 : i32
      %dma_start3A_70 = tpu.memref_slice %arg4[%scan3A_58, %add3A_68, %dma_start3A_69] : memref<50x16384x128xf32, #tpu.memory_space<hbm>> -> memref<1x128x128xf32, #tpu.memory_space<hbm>>
      %dma_start3A_71 = tpu.memref_squeeze %dma_start3A_70 : memref<1x128x128xf32, #tpu.memory_space<hbm>> -> memref<128x128xf32, #tpu.memory_space<hbm>>
      %dma_start3A_72 = arith.constant 0 : i32
      %dma_start3A_73 = tpu.memref_slice %arg4[%scan3A_58, %add3A_68, %dma_start3A_72] : memref<50x16384x128xf32, #tpu.memory_space<hbm>> -> memref<1x128x128xf32, #tpu.memory_space<hbm>>
      %dma_start3A_74 = tpu.memref_squeeze %dma_start3A_73 : memref<1x128x128xf32, #tpu.memory_space<hbm>> -> memref<128x128xf32, #tpu.memory_space<hbm>>
      tpu.enqueue_dma source(%arg7 : memref<128x128xf32, #tpu.memory_space<vmem>>) target(%dma_start3A_74 : memref<128x128xf32, #tpu.memory_space<hbm>>) target_semaphore(%arg12 : memref<!tpu.dma_semaphore, #tpu.memory_space<semaphore_mem>>)
      %ge3A = arith.constant 1 : i32
      %ge3A_75 = arith.cmpi sge, %scan3A_58, %ge3A : i32
      %convert_element_type3A_76 = arith.extui %ge3A_75 : i1 to i32
      %cond3A_77 = arith.constant 0 : i32
      %cond3A_78 = arith.cmpi ne, %convert_element_type3A_76, %cond3A_77 : i32
      scf.if %cond3A_78 {
        %dma_wait3A_180 = arith.constant 0 : i32
        %dma_wait3A_181 = arith.constant 0 : i32
        %dma_wait3A_182 = arith.constant 0 : i32
        %dma_wait3A_183 = tpu.memref_slice %arg4[%dma_wait3A_180, %dma_wait3A_181, %dma_wait3A_182] : memref<50x16384x128xf32, #tpu.memory_space<hbm>> -> memref<1x128x128xf32, #tpu.memory_space<hbm>>
        %dma_wait3A_184 = tpu.memref_squeeze %dma_wait3A_183 : memref<1x128x128xf32, #tpu.memory_space<hbm>> -> memref<128x128xf32, #tpu.memory_space<hbm>>
        %dma_wait3A_185 = arith.constant 0 : i32
        %dma_wait3A_186 = arith.constant 0 : i32
        %dma_wait3A_187 = tpu.memref_slice %arg4[%dma_wait3A_180, %dma_wait3A_185, %dma_wait3A_186] : memref<50x16384x128xf32, #tpu.memory_space<hbm>> -> memref<1x128x128xf32, #tpu.memory_space<hbm>>
        %dma_wait3A_188 = tpu.memref_squeeze %dma_wait3A_187 : memref<1x128x128xf32, #tpu.memory_space<hbm>> -> memref<128x128xf32, #tpu.memory_space<hbm>>
        tpu.wait_dma2 semaphore(%arg12 : memref<!tpu.dma_semaphore, #tpu.memory_space<semaphore_mem>>) src(%arg7 : memref<128x128xf32, #tpu.memory_space<vmem>>) dst(%dma_wait3A_188 : memref<128x128xf32, #tpu.memory_space<hbm>>)
      } else {
      }
      %add3A_79 = arith.constant 0 : i32
      %add3A_80 = arith.addi %scan3A_58, %add3A_79 : i32
      %lt3A_81 = arith.constant 50 : i32
      %lt3A_82 = arith.cmpi slt, %add3A_80, %lt3A_81 : i32
      %convert_element_type3A_83 = arith.extui %lt3A_82 : i1 to i32
      %cond3A_84 = arith.constant 0 : i32
      %cond3A_85 = arith.cmpi ne, %convert_element_type3A_83, %cond3A_84 : i32
      scf.if %cond3A_85 {
        %dma_start3A_180 = arith.constant 384 : i32
        %dma_start3A_181 = tpu.memref_slice %arg5[%add3A_80, %dma_start3A_180] : memref<50x512xi32, #tpu.memory_space<vmem>> -> memref<1x128xi32, #tpu.memory_space<vmem>>
        %dma_start3A_182 = tpu.memref_squeeze %dma_start3A_181 : memref<1x128xi32, #tpu.memory_space<vmem>> -> memref<128xi32, #tpu.memory_space<vmem>>
        %dma_start3A_183 = arith.constant 0 : i32
        %dma_start3A_184 = arith.constant 0 : i32
        %dma_start3A_185 = tpu.memref_slice %arg6[%dma_start3A_183, %dma_start3A_184] : memref<68x128xf32, #tpu.memory_space<vmem_shared>> -> memref<68x128xf32, #tpu.memory_space<vmem_shared>>
        tpu.enqueue_indirect_dma source(%dma_start3A_185 : memref<68x128xf32, #tpu.memory_space<vmem_shared>>) target(%arg10 : memref<128x128xf32, #tpu.memory_space<vmem>>) offsets(%dma_start3A_182 : memref<128xi32, #tpu.memory_space<vmem>>) semaphore(%arg11 : memref<!tpu.dma_semaphore, #tpu.memory_space<semaphore_mem>>)
      } else {
      }
      %dma_wait3A_86 = arith.constant 0 : i32
      %dma_wait3A_87 = arith.constant 0 : i32
      %dma_wait3A_88 = tpu.memref_slice %arg5[%dma_wait3A_86, %dma_wait3A_87] : memref<50x512xi32, #tpu.memory_space<vmem>> -> memref<1x128xi32, #tpu.memory_space<vmem>>
      %dma_wait3A_89 = tpu.memref_squeeze %dma_wait3A_88 : memref<1x128xi32, #tpu.memory_space<vmem>> -> memref<128xi32, #tpu.memory_space<vmem>>
      %dma_wait3A_90 = arith.constant 0 : i32
      %dma_wait3A_91 = arith.constant 0 : i32
      %dma_wait3A_92 = tpu.memref_slice %arg6[%dma_wait3A_90, %dma_wait3A_91] : memref<68x128xf32, #tpu.memory_space<vmem_shared>> -> memref<68x128xf32, #tpu.memory_space<vmem_shared>>
      tpu.wait_indirect_dma semaphore(%arg11 : memref<!tpu.dma_semaphore, #tpu.memory_space<semaphore_mem>>) src(%dma_wait3A_92 : memref<68x128xf32, #tpu.memory_space<vmem_shared>>) dst(%arg8 : memref<128x128xf32, #tpu.memory_space<vmem>>)
      %add3A_93 = arith.constant 128 : i32
      %add3A_94 = arith.addi %mul3A_2, %add3A_93 : i32
      %dma_start3A_95 = arith.constant 0 : i32
      %dma_start3A_96 = tpu.memref_slice %arg4[%scan3A_58, %add3A_94, %dma_start3A_95] : memref<50x16384x128xf32, #tpu.memory_space<hbm>> -> memref<1x128x128xf32, #tpu.memory_space<hbm>>
      %dma_start3A_97 = tpu.memref_squeeze %dma_start3A_96 : memref<1x128x128xf32, #tpu.memory_space<hbm>> -> memref<128x128xf32, #tpu.memory_space<hbm>>
      %dma_start3A_98 = arith.constant 0 : i32
      %dma_start3A_99 = tpu.memref_slice %arg4[%scan3A_58, %add3A_94, %dma_start3A_98] : memref<50x16384x128xf32, #tpu.memory_space<hbm>> -> memref<1x128x128xf32, #tpu.memory_space<hbm>>
      %dma_start3A_100 = tpu.memref_squeeze %dma_start3A_99 : memref<1x128x128xf32, #tpu.memory_space<hbm>> -> memref<128x128xf32, #tpu.memory_space<hbm>>
      tpu.enqueue_dma source(%arg8 : memref<128x128xf32, #tpu.memory_space<vmem>>) target(%dma_start3A_100 : memref<128x128xf32, #tpu.memory_space<hbm>>) target_semaphore(%arg12 : memref<!tpu.dma_semaphore, #tpu.memory_space<semaphore_mem>>)
      %dma_wait3A_101 = arith.constant 0 : i32
      %dma_wait3A_102 = arith.constant 0 : i32
      %dma_wait3A_103 = arith.constant 0 : i32
      %dma_wait3A_104 = tpu.memref_slice %arg4[%dma_wait3A_101, %dma_wait3A_102, %dma_wait3A_103] : memref<50x16384x128xf32, #tpu.memory_space<hbm>> -> memref<1x128x128xf32, #tpu.memory_space<hbm>>
      %dma_wait3A_105 = tpu.memref_squeeze %dma_wait3A_104 : memref<1x128x128xf32, #tpu.memory_space<hbm>> -> memref<128x128xf32, #tpu.memory_space<hbm>>
      %dma_wait3A_106 = arith.constant 0 : i32
      %dma_wait3A_107 = arith.constant 0 : i32
      %dma_wait3A_108 = tpu.memref_slice %arg4[%dma_wait3A_101, %dma_wait3A_106, %dma_wait3A_107] : memref<50x16384x128xf32, #tpu.memory_space<hbm>> -> memref<1x128x128xf32, #tpu.memory_space<hbm>>
      %dma_wait3A_109 = tpu.memref_squeeze %dma_wait3A_108 : memref<1x128x128xf32, #tpu.memory_space<hbm>> -> memref<128x128xf32, #tpu.memory_space<hbm>>
      tpu.wait_dma2 semaphore(%arg12 : memref<!tpu.dma_semaphore, #tpu.memory_space<semaphore_mem>>) src(%arg7 : memref<128x128xf32, #tpu.memory_space<vmem>>) dst(%dma_wait3A_109 : memref<128x128xf32, #tpu.memory_space<hbm>>)
      %add3A_110 = arith.constant 1 : i32
      %add3A_111 = arith.addi %scan3A_58, %add3A_110 : i32
      %lt3A_112 = arith.constant 50 : i32
      %lt3A_113 = arith.cmpi slt, %add3A_111, %lt3A_112 : i32
      %convert_element_type3A_114 = arith.extui %lt3A_113 : i1 to i32
      %cond3A_115 = arith.constant 0 : i32
      %cond3A_116 = arith.cmpi ne, %convert_element_type3A_114, %cond3A_115 : i32
      scf.if %cond3A_116 {
        %dma_start3A_180 = arith.constant 0 : i32
        %dma_start3A_181 = tpu.memref_slice %arg5[%add3A_111, %dma_start3A_180] : memref<50x512xi32, #tpu.memory_space<vmem>> -> memref<1x128xi32, #tpu.memory_space<vmem>>
        %dma_start3A_182 = tpu.memref_squeeze %dma_start3A_181 : memref<1x128xi32, #tpu.memory_space<vmem>> -> memref<128xi32, #tpu.memory_space<vmem>>
        %dma_start3A_183 = arith.constant 0 : i32
        %dma_start3A_184 = arith.constant 0 : i32
        %dma_start3A_185 = tpu.memref_slice %arg6[%dma_start3A_183, %dma_start3A_184] : memref<68x128xf32, #tpu.memory_space<vmem_shared>> -> memref<68x128xf32, #tpu.memory_space<vmem_shared>>
        tpu.enqueue_indirect_dma source(%dma_start3A_185 : memref<68x128xf32, #tpu.memory_space<vmem_shared>>) target(%arg7 : memref<128x128xf32, #tpu.memory_space<vmem>>) offsets(%dma_start3A_182 : memref<128xi32, #tpu.memory_space<vmem>>) semaphore(%arg11 : memref<!tpu.dma_semaphore, #tpu.memory_space<semaphore_mem>>)
      } else {
      }
      %dma_wait3A_117 = arith.constant 0 : i32
      %dma_wait3A_118 = arith.constant 0 : i32
      %dma_wait3A_119 = tpu.memref_slice %arg5[%dma_wait3A_117, %dma_wait3A_118] : memref<50x512xi32, #tpu.memory_space<vmem>> -> memref<1x128xi32, #tpu.memory_space<vmem>>
      %dma_wait3A_120 = tpu.memref_squeeze %dma_wait3A_119 : memref<1x128xi32, #tpu.memory_space<vmem>> -> memref<128xi32, #tpu.memory_space<vmem>>
      %dma_wait3A_121 = arith.constant 0 : i32
      %dma_wait3A_122 = arith.constant 0 : i32
      %dma_wait3A_123 = tpu.memref_slice %arg6[%dma_wait3A_121, %dma_wait3A_122] : memref<68x128xf32, #tpu.memory_space<vmem_shared>> -> memref<68x128xf32, #tpu.memory_space<vmem_shared>>
      tpu.wait_indirect_dma semaphore(%arg11 : memref<!tpu.dma_semaphore, #tpu.memory_space<semaphore_mem>>) src(%dma_wait3A_123 : memref<68x128xf32, #tpu.memory_space<vmem_shared>>) dst(%arg9 : memref<128x128xf32, #tpu.memory_space<vmem>>)
      %add3A_124 = arith.constant 256 : i32
      %add3A_125 = arith.addi %mul3A_2, %add3A_124 : i32
      %dma_start3A_126 = arith.constant 0 : i32
      %dma_start3A_127 = tpu.memref_slice %arg4[%scan3A_58, %add3A_125, %dma_start3A_126] : memref<50x16384x128xf32, #tpu.memory_space<hbm>> -> memref<1x128x128xf32, #tpu.memory_space<hbm>>
      %dma_start3A_128 = tpu.memref_squeeze %dma_start3A_127 : memref<1x128x128xf32, #tpu.memory_space<hbm>> -> memref<128x128xf32, #tpu.memory_space<hbm>>
      %dma_start3A_129 = arith.constant 0 : i32
      %dma_start3A_130 = tpu.memref_slice %arg4[%scan3A_58, %add3A_125, %dma_start3A_129] : memref<50x16384x128xf32, #tpu.memory_space<hbm>> -> memref<1x128x128xf32, #tpu.memory_space<hbm>>
      %dma_start3A_131 = tpu.memref_squeeze %dma_start3A_130 : memref<1x128x128xf32, #tpu.memory_space<hbm>> -> memref<128x128xf32, #tpu.memory_space<hbm>>
      tpu.enqueue_dma source(%arg9 : memref<128x128xf32, #tpu.memory_space<vmem>>) target(%dma_start3A_131 : memref<128x128xf32, #tpu.memory_space<hbm>>) target_semaphore(%arg12 : memref<!tpu.dma_semaphore, #tpu.memory_space<semaphore_mem>>)
      %dma_wait3A_132 = arith.constant 0 : i32
      %dma_wait3A_133 = arith.constant 0 : i32
      %dma_wait3A_134 = arith.constant 0 : i32
      %dma_wait3A_135 = tpu.memref_slice %arg4[%dma_wait3A_132, %dma_wait3A_133, %dma_wait3A_134] : memref<50x16384x128xf32, #tpu.memory_space<hbm>> -> memref<1x128x128xf32, #tpu.memory_space<hbm>>
      %dma_wait3A_136 = tpu.memref_squeeze %dma_wait3A_135 : memref<1x128x128xf32, #tpu.memory_space<hbm>> -> memref<128x128xf32, #tpu.memory_space<hbm>>
      %dma_wait3A_137 = arith.constant 0 : i32
      %dma_wait3A_138 = arith.constant 0 : i32
      %dma_wait3A_139 = tpu.memref_slice %arg4[%dma_wait3A_132, %dma_wait3A_137, %dma_wait3A_138] : memref<50x16384x128xf32, #tpu.memory_space<hbm>> -> memref<1x128x128xf32, #tpu.memory_space<hbm>>
      %dma_wait3A_140 = tpu.memref_squeeze %dma_wait3A_139 : memref<1x128x128xf32, #tpu.memory_space<hbm>> -> memref<128x128xf32, #tpu.memory_space<hbm>>
      tpu.wait_dma2 semaphore(%arg12 : memref<!tpu.dma_semaphore, #tpu.memory_space<semaphore_mem>>) src(%arg8 : memref<128x128xf32, #tpu.memory_space<vmem>>) dst(%dma_wait3A_140 : memref<128x128xf32, #tpu.memory_space<hbm>>)
      %add3A_141 = arith.constant 1 : i32
      %add3A_142 = arith.addi %scan3A_58, %add3A_141 : i32
      %lt3A_143 = arith.constant 50 : i32
      %lt3A_144 = arith.cmpi slt, %add3A_142, %lt3A_143 : i32
      %convert_element_type3A_145 = arith.extui %lt3A_144 : i1 to i32
      %cond3A_146 = arith.constant 0 : i32
      %cond3A_147 = arith.cmpi ne, %convert_element_type3A_145, %cond3A_146 : i32
      scf.if %cond3A_147 {
        %dma_start3A_180 = arith.constant 128 : i32
        %dma_start3A_181 = tpu.memref_slice %arg5[%add3A_142, %dma_start3A_180] : memref<50x512xi32, #tpu.memory_space<vmem>> -> memref<1x128xi32, #tpu.memory_space<vmem>>
        %dma_start3A_182 = tpu.memref_squeeze %dma_start3A_181 : memref<1x128xi32, #tpu.memory_space<vmem>> -> memref<128xi32, #tpu.memory_space<vmem>>
        %dma_start3A_183 = arith.constant 0 : i32
        %dma_start3A_184 = arith.constant 0 : i32
        %dma_start3A_185 = tpu.memref_slice %arg6[%dma_start3A_183, %dma_start3A_184] : memref<68x128xf32, #tpu.memory_space<vmem_shared>> -> memref<68x128xf32, #tpu.memory_space<vmem_shared>>
        tpu.enqueue_indirect_dma source(%dma_start3A_185 : memref<68x128xf32, #tpu.memory_space<vmem_shared>>) target(%arg8 : memref<128x128xf32, #tpu.memory_space<vmem>>) offsets(%dma_start3A_182 : memref<128xi32, #tpu.memory_space<vmem>>) semaphore(%arg11 : memref<!tpu.dma_semaphore, #tpu.memory_space<semaphore_mem>>)
      } else {
      }
      %dma_wait3A_148 = arith.constant 0 : i32
      %dma_wait3A_149 = arith.constant 0 : i32
      %dma_wait3A_150 = tpu.memref_slice %arg5[%dma_wait3A_148, %dma_wait3A_149] : memref<50x512xi32, #tpu.memory_space<vmem>> -> memref<1x128xi32, #tpu.memory_space<vmem>>
      %dma_wait3A_151 = tpu.memref_squeeze %dma_wait3A_150 : memref<1x128xi32, #tpu.memory_space<vmem>> -> memref<128xi32, #tpu.memory_space<vmem>>
      %dma_wait3A_152 = arith.constant 0 : i32
      %dma_wait3A_153 = arith.constant 0 : i32
      %dma_wait3A_154 = tpu.memref_slice %arg6[%dma_wait3A_152, %dma_wait3A_153] : memref<68x128xf32, #tpu.memory_space<vmem_shared>> -> memref<68x128xf32, #tpu.memory_space<vmem_shared>>
      tpu.wait_indirect_dma semaphore(%arg11 : memref<!tpu.dma_semaphore, #tpu.memory_space<semaphore_mem>>) src(%dma_wait3A_154 : memref<68x128xf32, #tpu.memory_space<vmem_shared>>) dst(%arg10 : memref<128x128xf32, #tpu.memory_space<vmem>>)
      %add3A_155 = arith.constant 384 : i32
      %add3A_156 = arith.addi %mul3A_2, %add3A_155 : i32
      %dma_start3A_157 = arith.constant 0 : i32
      %dma_start3A_158 = tpu.memref_slice %arg4[%scan3A_58, %add3A_156, %dma_start3A_157] : memref<50x16384x128xf32, #tpu.memory_space<hbm>> -> memref<1x128x128xf32, #tpu.memory_space<hbm>>
      %dma_start3A_159 = tpu.memref_squeeze %dma_start3A_158 : memref<1x128x128xf32, #tpu.memory_space<hbm>> -> memref<128x128xf32, #tpu.memory_space<hbm>>
      %dma_start3A_160 = arith.constant 0 : i32
      %dma_start3A_161 = tpu.memref_slice %arg4[%scan3A_58, %add3A_156, %dma_start3A_160] : memref<50x16384x128xf32, #tpu.memory_space<hbm>> -> memref<1x128x128xf32, #tpu.memory_space<hbm>>
      %dma_start3A_162 = tpu.memref_squeeze %dma_start3A_161 : memref<1x128x128xf32, #tpu.memory_space<hbm>> -> memref<128x128xf32, #tpu.memory_space<hbm>>
      tpu.enqueue_dma source(%arg10 : memref<128x128xf32, #tpu.memory_space<vmem>>) target(%dma_start3A_162 : memref<128x128xf32, #tpu.memory_space<hbm>>) target_semaphore(%arg12 : memref<!tpu.dma_semaphore, #tpu.memory_space<semaphore_mem>>)
      %dma_wait3A_163 = arith.constant 0 : i32
      %dma_wait3A_164 = arith.constant 0 : i32
      %dma_wait3A_165 = arith.constant 0 : i32
      %dma_wait3A_166 = tpu.memref_slice %arg4[%dma_wait3A_163, %dma_wait3A_164, %dma_wait3A_165] : memref<50x16384x128xf32, #tpu.memory_space<hbm>> -> memref<1x128x128xf32, #tpu.memory_space<hbm>>
      %dma_wait3A_167 = tpu.memref_squeeze %dma_wait3A_166 : memref<1x128x128xf32, #tpu.memory_space<hbm>> -> memref<128x128xf32, #tpu.memory_space<hbm>>
      %dma_wait3A_168 = arith.constant 0 : i32
      %dma_wait3A_169 = arith.constant 0 : i32
      %dma_wait3A_170 = tpu.memref_slice %arg4[%dma_wait3A_163, %dma_wait3A_168, %dma_wait3A_169] : memref<50x16384x128xf32, #tpu.memory_space<hbm>> -> memref<1x128x128xf32, #tpu.memory_space<hbm>>
      %dma_wait3A_171 = tpu.memref_squeeze %dma_wait3A_170 : memref<1x128x128xf32, #tpu.memory_space<hbm>> -> memref<128x128xf32, #tpu.memory_space<hbm>>
      tpu.wait_dma2 semaphore(%arg12 : memref<!tpu.dma_semaphore, #tpu.memory_space<semaphore_mem>>) src(%arg9 : memref<128x128xf32, #tpu.memory_space<vmem>>) dst(%dma_wait3A_171 : memref<128x128xf32, #tpu.memory_space<hbm>>)
      %add3A_172 = arith.constant 1 : i32
      %add3A_173 = arith.addi %scan3A_58, %add3A_172 : i32
      %lt3A_174 = arith.constant 50 : i32
      %lt3A_175 = arith.cmpi slt, %add3A_173, %lt3A_174 : i32
      %convert_element_type3A_176 = arith.extui %lt3A_175 : i1 to i32
      %cond3A_177 = arith.constant 0 : i32
      %cond3A_178 = arith.cmpi ne, %convert_element_type3A_176, %cond3A_177 : i32
      scf.if %cond3A_178 {
        %dma_start3A_180 = arith.constant 256 : i32
        %dma_start3A_181 = tpu.memref_slice %arg5[%add3A_173, %dma_start3A_180] : memref<50x512xi32, #tpu.memory_space<vmem>> -> memref<1x128xi32, #tpu.memory_space<vmem>>
        %dma_start3A_182 = tpu.memref_squeeze %dma_start3A_181 : memref<1x128xi32, #tpu.memory_space<vmem>> -> memref<128xi32, #tpu.memory_space<vmem>>
        %dma_start3A_183 = arith.constant 0 : i32
        %dma_start3A_184 = arith.constant 0 : i32
        %dma_start3A_185 = tpu.memref_slice %arg6[%dma_start3A_183, %dma_start3A_184] : memref<68x128xf32, #tpu.memory_space<vmem_shared>> -> memref<68x128xf32, #tpu.memory_space<vmem_shared>>
        tpu.enqueue_indirect_dma source(%dma_start3A_185 : memref<68x128xf32, #tpu.memory_space<vmem_shared>>) target(%arg9 : memref<128x128xf32, #tpu.memory_space<vmem>>) offsets(%dma_start3A_182 : memref<128xi32, #tpu.memory_space<vmem>>) semaphore(%arg11 : memref<!tpu.dma_semaphore, #tpu.memory_space<semaphore_mem>>)
      } else {
      }
      %scan3A_179 = arith.constant 0 : i32
      scf.yield %scan3A_179 : i32
    }
    %scan3A_49 = arith.constant 50 : i32
    %dma_wait3A = arith.constant 0 : i32
    %dma_wait3A_50 = arith.constant 0 : i32
    %dma_wait3A_51 = arith.constant 0 : i32
    %dma_wait3A_52 = tpu.memref_slice %arg4[%dma_wait3A, %dma_wait3A_50, %dma_wait3A_51] : memref<50x16384x128xf32, #tpu.memory_space<hbm>> -> memref<1x128x128xf32, #tpu.memory_space<hbm>>
    %dma_wait3A_53 = tpu.memref_squeeze %dma_wait3A_52 : memref<1x128x128xf32, #tpu.memory_space<hbm>> -> memref<128x128xf32, #tpu.memory_space<hbm>>
    %dma_wait3A_54 = arith.constant 0 : i32
    %dma_wait3A_55 = arith.constant 0 : i32
    %dma_wait3A_56 = tpu.memref_slice %arg4[%dma_wait3A, %dma_wait3A_54, %dma_wait3A_55] : memref<50x16384x128xf32, #tpu.memory_space<hbm>> -> memref<1x128x128xf32, #tpu.memory_space<hbm>>
    %dma_wait3A_57 = tpu.memref_squeeze %dma_wait3A_56 : memref<1x128x128xf32, #tpu.memory_space<hbm>> -> memref<128x128xf32, #tpu.memory_space<hbm>>
    tpu.wait_dma2 semaphore(%arg12 : memref<!tpu.dma_semaphore, #tpu.memory_space<semaphore_mem>>) src(%arg10 : memref<128x128xf32, #tpu.memory_space<vmem>>) dst(%dma_wait3A_57 : memref<128x128xf32, #tpu.memory_space<hbm>>)
    return
  }
}

</mosaic_0001>

<sc_bundles>
// kernel: kernel.3.cloned.1.call-start
scs
__scs_entry_jumppad:
0x0: {  	(pc) =	sbr.rel $0x88, $3  }
0x1: {  	(tag) =	ssettag $0x0;
	lr =	simm.s32 $0x1  }
0x2: {  	[smem:$0x3F9F] =	sst lr;
	_ =	strace $0xD0000000  }
0x3: {  	_ = 	snop  }
0x4: {  	_ = 	snop  }
0x5: {  	_ = 	snop  }
0x6: {  	_ = 	snop  }
0x7: {  	_ = 	snop  }
__scs_overlays_trampoline_lowered:
0x8: {  	[smem:$0x3FAE] =	sst s0  }
0x9: {  	[smem:$0x3FAF] =	sst s1  }
0xa: {  	[smem:$0x3FB0] =	sst s2  }
0xb: {  	[smem:$0x3FB1] =	sst s3  }
0xc: {  	[smem:$0x3FB2] =	sst s4  }
0xd: {  	[smem:$0x3FB3] =	sst s5  }
0xe: {  	[smem:$0x3FB4] =	sst s6  }
0xf: {  	[smem:$0x3FB5] =	sst s7  }
0x10: {  	[smem:$0x3FB6] =	sst s8  }
0x11: {  	[smem:$0x3FB7] =	sst s9;
	s0 =	simm.s32 @!p0 $0x0  }
0x12: {  	s1 =	sld [smem:$0x3F9D];
	s0 =	simm.s32 @p0 $0x1  }
0x13: {  	[smem:$0x3FB8] =	sst s0;
	s0 =	simm.s32 @!p1 $0x0  }
0x14: {  	s2 =	sld [smem:$0x3F9C];
	s0 =	simm.s32 @p1 $0x1  }
0x15: {  	[smem:$0x3FB9] =	sst s0;
	s0 =	simm.s32 @!p2 $0x0  }
0x16: {  	s3 =	sld [smem:$0x3FDB];
	s0 =	simm.s32 @p2 $0x1  }
0x17: {  	s4 =	simm.s32 $0x1BF5;
	[smem:$0x3FBB] =	sst s0  }
0x18: {  	s0 =	sld [smem:$0x3F9E];
	_ =	swait.ge [sflag:s4], $0x0  }
0x19: {  	s7 =	sld [smem:$0x3F9F]  }
0x1a: {  	s8 =	sadd.s32 $0xFFFFE003, lr  }
0x1b: {  	s9 =	sadd.s32 $0xFFFFFEF7, lr;
	s5 =	simm.s32 $0xFFFFFFFF;
	p2 =	slt.u32 s8, $0xFFFFF086  }
0x1c: {  	p1 =	slt.u32 s9, $0xF7A;
	s5 =	simm.s32 @!p2 $0x0  }
0x1d: {  	s5 =	simm.s32 @p1 $0x1;
	p0 =	seq.s32 s7, s2  }
0x1e: {  	s7 =	smul.u32 @!p0 $0xF7A, s2;
	p2 =	seq.s32 @!p0 s5, $0x0  }
0x1f: {  	s9 =	smul.u32 $0xF7A, s1;
	s8 =	simm.s32 @!p0 $0x1BF5;
	p2 =	por !p2, p0  }
0x20: {  	[sflag:s8] =	ssyncset.s32 @!p0 $0xFFFFF086;
	s6 =	sadd.s32 @!p0 s3, s7;
	s7 =	simm.s32 @!p0 $0x108  }
0x21: {  	s3 =	sadd.s32 s3, s9;
	s6 =	sadd.s32 @!p0 $0x88, s6;
	s7 =	simm.s32 @p2 $0x1082  }
0x22: {  	[simem:s7], [sflag:s8] =	dma.local @!p0 [hbm:s6], $0xF7A  }
0x23: {  	s9 =	sor.u32 $0xD0000000, s2;
	s6 =	simm.s32 $0x108;
	_ =	swait.ge @!p0 [sflag:s8], $0x0  }
0x24: {  	s3 =	sadd.s32 $0x88, s3;
	s6 =	simm.s32 @!p1 $0x1082;
	[sflag:s4] =	ssyncset.s32 $0xFFFFF086  }
0x25: {  	[simem:s6], [sflag:s4] =	dma.local [hbm:s3], $0xF7A  }
0x26: {  	[smem:$0x3F9F] =	sst s1;
	(tag) =	ssettag s2;
	_ =	strace s9  }
0x27: {  	s1 =	sld [smem:$0x3FAF]  }
0x28: {  	s2 =	sld [smem:$0x3FB0]  }
0x29: {  	s4 =	sld [smem:$0x3FB2]  }
0x2a: {  	p0 =	seq.s32 s5, $0x0;
	s5 =	sld [smem:$0x3FB3]  }
0x2b: {  	s6 =	sld [smem:$0x3FB4]  }
0x2c: {  	s7 =	sld [smem:$0x3FB5]  }
0x2d: {  	s3 =	simm.s32 $0x108;
	s8 =	sld [smem:$0x3FB6]  }
0x2e: {  	s3 =	simm.s32 @!p0 $0x1082;
	s9 =	sld [smem:$0x3FB7]  }
0x2f: {  	lr =	sadd.s32 s0, s3;
	s0 =	sld [smem:$0x3FAE]  }
0x30: {  	s3 =	sld [smem:$0x3FB1]  }
0x31: {  	[smem:$0x3FBA] =	sst s10  }
0x32: {  	s10 =	sld [smem:$0x3FB8];
	_ =	sdelay $0x3  }
0x33: {  	p0 =	seq.s32 s10, $0x1;
	s10 =	sld [smem:$0x3FBA];
	_ =	sdelay $0x3  }
0x34: {  	[smem:$0x3FBA] =	sst s10  }
0x35: {  	s10 =	sld [smem:$0x3FB9];
	_ =	sdelay $0x3  }
0x36: {  	p1 =	seq.s32 s10, $0x1;
	s10 =	sld [smem:$0x3FBA];
	_ =	sdelay $0x3  }
0x37: {  	[smem:$0x3FBA] =	sst s10  }
0x38: {  	s10 =	sld [smem:$0x3FBB]  }
0x39: {  	_ = 	snop;
	(pc) =	sbr.ind lr, $3  }
0x3a: {  	_ = 	snop  }
0x3b: {  	_ = 	snop  }
0x3c: {  	p2 =	seq.s32 s10, $0x1;
	s10 =	sld [smem:$0x3FBA]  }
0x3d: {  	_ =	shalt  }
0x3e: {  	_ =	shalt  }
0x3f: {  	_ =	shalt  }
0x40: {  	_ =	shalt  }
0x41: {  	_ =	shalt  }
0x42: {  	_ =	shalt  }
0x43: {  	_ =	shalt  }
0x44: {  	_ =	shalt  }
0x45: {  	_ =	shalt  }
0x46: {  	_ =	shalt  }
0x47: {  	_ =	shalt  }
0x48: {  	_ =	shalt  }
0x49: {  	_ =	shalt  }
0x4a: {  	_ =	shalt  }
0x4b: {  	_ =	shalt  }
0x4c: {  	_ =	shalt  }
0x4d: {  	_ =	shalt  }
0x4e: {  	_ =	shalt  }
0x4f: {  	_ =	shalt  }
0x50: {  	_ =	shalt  }
0x51: {  	_ =	shalt  }
0x52: {  	_ =	shalt  }
0x53: {  	_ =	shalt  }
0x54: {  	_ =	shalt  }
0x55: {  	_ =	shalt  }
0x56: {  	_ =	shalt  }
0x57: {  	_ =	shalt  }
0x58: {  	_ =	shalt  }
0x59: {  	_ =	shalt  }
0x5a: {  	_ =	shalt  }
0x5b: {  	_ =	shalt  }
0x5c: {  	_ =	shalt  }
0x5d: {  	_ =	shalt  }
0x5e: {  	_ =	shalt  }
0x5f: {  	_ =	shalt  }
0x60: {  	_ =	shalt  }
0x61: {  	_ =	shalt  }
0x62: {  	_ =	shalt  }
0x63: {  	_ =	shalt  }
0x64: {  	_ =	shalt  }
0x65: {  	_ =	shalt  }
0x66: {  	_ =	shalt  }
0x67: {  	_ =	shalt  }
0x68: {  	_ =	shalt  }
0x69: {  	_ =	shalt  }
0x6a: {  	_ =	shalt  }
0x6b: {  	_ =	shalt  }
0x6c: {  	_ =	shalt  }
0x6d: {  	_ =	shalt  }
0x6e: {  	_ =	shalt  }
0x6f: {  	_ =	shalt  }
0x70: {  	_ =	shalt  }
0x71: {  	_ =	shalt  }
0x72: {  	_ =	shalt  }
0x73: {  	_ =	shalt  }
0x74: {  	_ =	shalt  }
0x75: {  	_ =	shalt  }
0x76: {  	_ =	shalt  }
0x77: {  	_ =	shalt  }
0x78: {  	_ =	shalt  }
0x79: {  	_ =	shalt  }
0x7a: {  	_ =	shalt  }
0x7b: {  	_ =	shalt  }
0x7c: {  	_ =	shalt  }
0x7d: {  	_ =	shalt  }
0x7e: {  	_ =	shalt  }
0x7f: {  	_ =	shalt  }
0x80: {  	_ =	shalt  }
0x81: {  	_ =	shalt  }
0x82: {  	_ =	shalt  }
0x83: {  	_ =	shalt  }
0x84: {  	_ =	shalt  }
0x85: {  	_ =	shalt  }
0x86: {  	_ =	shalt  }
0x87: {  	_ =	shalt  }
.Lfunc_end0:
.L_simem_size_0:
called_computation_lowered:
.L_overlay_start_0:
0x88: {  	s2 =	sld [smem:$0x3FD9]  }
0x89: {  	s3 =	sld [smem:$0x3FFE];
	_ =	sdelay $0x1  }
0x8a: {  	s1 =	srdreg.scid  }
0x8b: {  	s0 =	sand.u32 $0x1, s1  }
0x8c: {  	s18 =	sshll.u32 s0, $0xA;
	s2 =	sadd.s32 s3, s2  }
0x8d: {  	s2 =	sadd.s32 s2, s18  }
0x8e: {  	[smem:$0x3FC6] =	sst s2  }
0x8f: {  	_ = 	snop  }
0x90: {  	s2 =	sld [smem:$0x3FC9]  }
0x91: {  	s19 =	sld [smem:$0x3FC8]  }
0x92: {  	s4 =	sld [smem:$0x3FD0];
	(tm) =	ssettm $0x1  }
0x93: {  	s5 =	sld [smem:$0x3FFB];
	_ =	sdelay $0x3  }
0x94: {  	_ =	strace s5  }
0x95: {  	s5 =	sld [smem:$0x3FFC];
	_ =	sdelay $0x3  }
0x96: {  	_ =	strace s5  }
0x97: {  	s5 =	sld [smem:$0x3FFD];
	_ =	sdelay $0x3  }
0x98: {  	_ =	strace s5  }
0x99: {  	_ =	strace $0x8FFFFFFF  }
0x9a: {  	s20 =	sld [smem:$0x3FDB];
	_ =	sdelay $0x1  }
0x9b: {  	s6 =	simm.s32 $_scs_section_size  }
0x9c: {  	s7 =	simm.s32 $_size__tile_overlayer_lowered;
	s8 =	simm.s32 $_tile_overlayer_lowered  }
0x9d: {  	s23 =	simm.s32 $0x1BFF;
	s22 =	sshll.u32 s8, $0x1;
	s5 =	sadd.s32 s6, s20  }
0x9e: {  	s9 =	simm.s32 $0x0;
	s21 =	sshll.u32 s7, $0x1;
	s7 =	sadd.s32 s22, s5  }
0x9f: {  	[timem:s9], [sflag:s23] =	dma.local [hbm:s7], s21  }
0xa0: {  	_ =	swait.ge [sflag:s23], s21  }
0xa1: {  	s6 =	ssub.s32 $0x0, s21;
	[sflag:s23] =	ssyncset.done $0x0  }
0xa2: {  	[sflag:s23] =	ssyncadd.s32 s6;
	_ =	sdelay $0x1  }
0xa3: {  	s24 =	simm.s32 $0x1B8B  }
0xa4: {  	_ =	swait.ge [sflag:s24], $0x1  }
0xa5: {  	[sflag:s24] =	ssyncset.done $0x0  }
0xa6: {  	s25 =	simm.s32 $0x1B8E;
	[sflag:s24] =	ssyncadd.s32 $0xFFFFFFFF  }
0xa7: {  	s26 =	simm.s32 $execute0_lowered;
	[smem:$0x3FD2] =	sst s25  }
0xa8: {  	s6 =	sshll.u32 s26, $0x1;
	_ =	strace $0x80000046;
	[dreg:$0x1] =	wrdreg $0xFFFFFFFF  }
0xa9: {  	s28 =	simm.s32 $_size_execute0_lowered;
	s5 =	sadd.s32 s5, s6;
	[dreg:$0x0] =	wrdreg $0x0  }
0xaa: {  	s6 =	sshll.u32 s28, $0x1;
	[dreg:$0x2] =	wrdreg s5  }
0xab: {  	[dreg:$0x3] =	wrdreg s6  }
0xac: {  	[dreg:$0x4] =	wrdreg $0xC0  }
0xad: {  	_ =	task [dreg:s9], $0x5FFFF  }
0xae: {  	[dreg:$0x1] =	wrdreg $0xFFFFFFFF  }
0xaf: {  	[dreg:$0x0] =	wrdreg $0x60  }
0xb0: {  	[dreg:$0x2] =	wrdreg s2  }
0xb1: {  	[dreg:$0x3] =	wrdreg s19  }
0xb2: {  	[dreg:$0x4] =	wrdreg s4  }
0xb3: {  	[dreg:$0x5] =	wrdreg $0x70000  }
0xb4: {  	[dreg:$0x6] =	wrdreg $0x9  }
0xb5: {  	_ =	task.clear_ibuf [dreg:s9], $0x7FFFF;
	_ =	strace $0x90000046  }
0xb6: {  	s29 =	simm.s32 $0x9;
	_ =	strace $0x80000048  }
0xb7: {  	_ =	swait.ge [sflag:s29], $0x1  }
0xb8: {  	[sflag:s29] =	ssyncadd.s32 $0xFFFFFFFF  }
0xb9: {  	_ =	strace $0x90000048  }
0xba: {  	_ =	sfence  }
0xbb: {  	s30 =	sld [smem:$0x0];
	_ =	sdelay $0x2  }
0xbc: {  	s31 =	sshll.u32 s1, $0xD;
	s1 =	sshrl.u32 s1, $0x2  }
0xbd: {  	s3 =	sand.u32 $0x4000, s31;
	s1 =	sadd.s32 s1, s30  }
0xbe: {  	s0 =	sor.u32 s3, s0;
	s1 =	sshll.u32 s1, $0x11  }
0xbf: {  	s0 =	sor.u32 s1, s0  }
0xc0: {  	s0 =	sadd.s32 $0x8F2B, s0  }
0xc1: {  	[sflag:s0] =	ssyncadd.remote.s32 $0x1  }
0xc2: {  	_ =	sfence.sel $0xFFFF  }
0xc3: {  	[dreg:$0x0] =	wrdreg $0xFFFFFFFF;
	(pc) =	sbr.abs _section_cstart, $3  }
0xc4: {  	[dreg:$0x1] =	wrdreg $0xFFFFFFFF  }
0xc5: {  	_ =	task.clear_ibuf [dreg:s9], $0x2FFFF;
	_ =	strace $0x9FFFFFFF  }
0xc6: {  	(tm) =	ssettm $0x7FFFFFFF  }
0xc7: {  	_ =	shalt  }
tec
execute0_lowered:
.L_overlay_start_1:
0x0: {  	(tag) =	ssettag $0x1  }
0x1: {  	s0 =	rddreg [dreg:$0x0]  }
0x2: {  	s1 =	rddreg [dreg:$0x1]  }
0x3: {  	s9 =	rddreg [dreg:$0x2]  }
0x4: {  	s2 =	rddreg [dreg:$0x3];
	s4 =	srdreg.scid  }
0x5: {  	s3 =	simm.s32 $0x0;
	s10 =	stileid.u32;
	s16 =	simm.s32 $0x3  }
0x6: {  	s17 =	simm.s32 $0x7220;
	s18 =	simm.s32 $0x400;
	s19 =	simm.s32 $0xB220  }
0x7: {  	s20 =	simm.s32 $0x800;
	s21 =	simm.s32 $0xF220;
	s22 =	simm.s32 $0x1  }
0x8: {  	s23 =	simm.s32 $0x80;
	s24 =	simm.s32 $0x13220;
	s4 =	sand.u32 $0x1, s4  }
0x9: {  	[smem:$0x7FF] =	sst s3;
	s7 =	sshll.u32 s10, $0xA;
	s11 =	sadd.s32 $0x880, s2  }
0xa: {  	s12 =	sadd.s32 $0x1100, s2;
	s13 =	sadd.s32 $0x1980, s2;
	s26 =	sand.u32 $0x3, s10  }
0xb: {  	s28 =	sshll.u32 s10, $0x11;
	p0 =	sne.s32 s10, $0x0;
	s5 =	ssub.s32 $0x2, s4  }
0xc: {  	s8 =	sshll.u32 s4, $0x9;
	_ =	strace $0x80000047;
	s14 =	sshll.u32 s4, $0x10  }
0xd: {  	s29 =	smul.u32 $0x11, s26;
	s10 =	sshrl.u32 @!p0 s2, $0x3;
	s11 =	sshrl.u32 @!p0 s11, $0x3  }
0xe: {  	s12 =	sshrl.u32 @!p0 s12, $0x3;
	s13 =	sshrl.u32 @!p0 s13, $0x3;
	s26 =	simm.s32 $0x0  }
0xf: {  	s6 =	sshrl.u32 s5, $0x1;
	s25 =	sor.u32 s8, s7;
	s14 =	sor.u32 s14, s28  }
0x10: {  	s5 =	ssub.s32 s5, s6;
	s4 =	sadd.s32 s0, s25;
	s30 =	sor.u32 $0xC000, s14  }
0x11: {  	s31 =	sor.u32 $0x8000, s14;
	s8 =	sor.u32 $0x4000, s14;
	s14 =	sshrl.u32 s14, $0x3  }
0x12: {  	s25 =	simm.s32 $0x2;
	s5 =	smax.u32 s5, $0x1;
	s6 =	sshrl.u32 s30, $0x3  }
0x13: {  	s7 =	sshrl.u32 s31, $0x3;
	s8 =	sshrl.u32 s8, $0x3;
	s6 =	sadd.s32 s6, s9  }
0x14: {  	v0 =	vmov s29;
	s7 =	sadd.s32 s7, s9;
	s8 =	sadd.s32 s8, s9;
	s9 =	sadd.s32 s14, s9  }
.LBB2_1:
0x15: {  	s0 =	simm.s32 @!p0 $0x1C03;
	s14 =	simm.s32 @!p0 $0x3  }
0x16: {  	[spmem:s10], [sflag:s0] =	dma.local @!p0 [hbm:s1], $0x110  }
0x17: {  	_ =	swait.ge @!p0 [sflag:s14], $0x110  }
0x18: {  	[sflag:s14] =	ssyncset.done @!p0 $0x0  }
0x19: {  	[sflag:s14] =	ssyncadd.s32 @!p0 $0xFFFFFEF0  }
0x1a: {  	[spmem:s11], [sflag:s0] =	dma.local @!p0 [hbm:s1], $0x110  }
0x1b: {  	_ =	swait.ge @!p0 [sflag:s14], $0x110  }
0x1c: {  	[sflag:s14] =	ssyncset.done @!p0 $0x0  }
0x1d: {  	[sflag:s14] =	ssyncadd.s32 @!p0 $0xFFFFFEF0  }
0x1e: {  	[spmem:s12], [sflag:s0] =	dma.local @!p0 [hbm:s1], $0x110  }
0x1f: {  	_ =	swait.ge @!p0 [sflag:s14], $0x110  }
0x20: {  	[sflag:s14] =	ssyncset.done @!p0 $0x0  }
0x21: {  	[sflag:s14] =	ssyncadd.s32 @!p0 $0xFFFFFEF0  }
0x22: {  	[spmem:s13], [sflag:s0] =	dma.local @!p0 [hbm:s1], $0x110  }
0x23: {  	_ =	swait.ge @!p0 [sflag:s14], $0x110  }
0x24: {  	[sflag:s14] =	ssyncset.done @!p0 $0x0  }
0x25: {  	s15 =	simm.s32 $0x20000;
	[sflag:s14] =	ssyncadd.s32 @!p0 $0xFFFFFEF0;
	s14 =	simm.s32 $0x1000  }
0x26: {  	[tilespmem:s3], [sflag:$0x3] =	stream.strided.gather [hbm4b:s4+s14], $0x7000, s15, s14, $0x38;
	[tilespmem:$0x17220] =	vst v63  }
0x27: {  	s14 =	simm.s32 $0x0  }
0x28: {  	s28 =	sand.u32 $0xC00, s3;
	s15 =	simm.s32 $0x0;
	s0 =	sand.u32 $0x7000, s14  }
0x29: {  	_ =	swait.ge [sflag:s16], $0x7000;
	s14 =	sand.u32 $0x380, s15;
	s0 =	sor.u32 s28, s0  }
0x2a: {  	[sflag:s16] =	ssyncset.done $0x0;
	s28 =	sand.u32 $0x70, s3;
	s0 =	sor.u32 s14, s0  }
0x2b: {  	[sflag:s16] =	ssyncadd.s32 $0xFFFF9000;
	s28 =	sor.u32 s28, s0  }
0x2c: {  	v1 =	vld [tilespmem:s28+$0x0]  }
0x2d: {  	s29 =	simm.s32 $0x80;
	s31 =	simm.s32 $0x2  }
0x2e: {  	s30 =	simm.s32 $0x0;
	s14 =	simm.s32 $0x10;
	s0 =	simm.s32 $0x4  }
.LBB2_2:
0x2f: {  	p1 =	sne.s32 s31, $0x63F;
	s14 =	sand.u32 $0x7000, s14;
	s15 =	sand.u32 $0xC00, s29  }
0x30: {  	s0 =	sand.u32 $0x380, s0;
	s30 =	sadd.s32 $0x10, s30;
	s14 =	sor.u32 s15, s14  }
.Ltmp0:
0x31: {  	s15 =	sand.u32 $0x70, s30;
	s0 =	sor.u32 s0, s14;
	v1 =	vadd.s32 v0, v1;
	(pc) =	sbr.rel @p1 .LBB2_2-.Ltmp0, $4  }
0x32: {  	[tilespmem:s28+$0x0] =	vst v1;
	s28 =	sor.u32 s15, s0  }
0x33: {  	v1 =	vld [tilespmem:s28+$0x0]  }
0x34: {  	s29 =	sadd.s32 $0x80, s29  }
0x35: {  	s14 =	sshll.u32 s31, $0x4;
	s0 =	sshll.u32 s31, $0x2;
	s31 =	sadd.s32 $0x1, s31  }
0x36: {  	s14 =	sand.u32 $0x7000, s14;
	s15 =	sand.u32 $0xC00, s29  }
0x37: {  	s0 =	sand.u32 $0x380, s0;
	s31 =	sadd.s32 $0x10, s30;
	s14 =	sor.u32 s15, s14  }
0x38: {  	s15 =	sand.u32 $0x70, s31;
	s0 =	sor.u32 s0, s14;
	v1 =	vadd.s32 v0, v1  }
0x39: {  	s0 =	sor.u32 s15, s0;
	[tilespmem:s28+$0x0] =	vst v1  }
0x3a: {  	v1 =	vld [tilespmem:s0+$0x0];
	_ =	sdelay $0x4  }
0x3b: {  	v1 =	vadd.s32 v0, v1  }
0x3c: {  	[tilespmem:s0+$0x0] =	vst v1  }
0x3d: {  	s29 =	simm.s32 $0x0;
	s28 =	simm.s32 $0x80;
	[bflag:$0x0] =	sbarrier.arrive $0xFFFF  }
0x3e: {  	[tilespmem:s17], [sflag:$0x1] =	stream.indirect.gather [spmem:s2], $0x80, s29, s28, $0xb8;
	[tilespmem:$0x17220] =	vst v63  }
0x3f: {  	_ = 	snop  }
0x40: {  	[tilespmem:s19], [sflag:$0x1] =	stream.indirect.gather [spmem:s2], $0x80, s18, s28, $0xb8;
	[tilespmem:$0x17220] =	vst v63  }
0x41: {  	s30 =	simm.s32 $0x200  }
0x42: {  	[tilespmem:s21], [sflag:$0x1] =	stream.indirect.gather [spmem:s2], $0x80, s20, s28, $0xb8;
	[tilespmem:$0x17220] =	vst v63  }
.LBB2_4:
0x43: {  	_ =	swait.ge [sflag:s22], $0x4000  }
0x44: {  	[sflag:s22] =	ssyncset.done $0x0  }
0x45: {  	s0 =	sadd.s32 s29, s9;
	p1 =	seq.s32 s29, $0x0;
	[sflag:s22] =	ssyncadd.s32 $0xFFFFC000  }
0x46: {  	[hbm4b:s0+s3] =	stream.linear.scatter [tilespmem:s17], [sflag:$0x2], $0x4000, $0x38;
	[tilespmem:$0x17220] =	vst v63  }
0x47: {  	s14 =	sadd.s32 $0xFFFFFE00, s30;
	s15 =	sadd.s32 $0xFFFFFF80, s28;
	s0 =	simm.s32 @!p1 $0x2  }
0x48: {  	s14 =	sand.u32 $0x7000, s14;
	s15 =	sand.u32 $0x380, s15;
	_ =	swait.ge @!p1 [sflag:s0], $0x4000  }
0x49: {  	s14 =	sor.u32 s15, s14;
	[sflag:s0] =	ssyncset.done @!p1 $0x0  }
0x4a: {  	s14 =	sor.u32 $0xC00, s14;
	[sflag:s0] =	ssyncadd.s32 @!p1 $0xFFFFC000  }
0x4b: {  	[tilespmem:s24], [sflag:$0x1] =	stream.indirect.gather [spmem:s2], $0x80, s14, s23, $0xb8;
	[tilespmem:$0x17220] =	vst v63  }
0x4c: {  	_ =	swait.ge [sflag:s22], $0x4000  }
0x4d: {  	[sflag:s22] =	ssyncset.done $0x0  }
0x4e: {  	s15 =	sadd.s32 s29, s8;
	p1 =	seq.s32 s29, $0xC40000;
	[sflag:s22] =	ssyncadd.s32 $0xFFFFC000  }
0x4f: {  	[hbm4b:s15+s3] =	stream.linear.scatter [tilespmem:s19], [sflag:$0x2], $0x4000, $0x38;
	[tilespmem:$0x17220] =	vst v63  }
0x50: {  	s0 =	sand.u32 @!p1 $0xF000, s30;
	s14 =	sand.u32 @!p1 $0x380, s28;
	_ =	swait.ge [sflag:s25], $0x4000  }
0x51: {  	s0 =	sor.u32 @!p1 s14, s0;
	[sflag:s25] =	ssyncset.done $0x0  }
0x52: {  	s14 =	simm.s32 @!p1 $0x80;
	s15 =	simm.s32 @!p1 $0x7220;
	[sflag:s25] =	ssyncadd.s32 $0xFFFFC000  }
0x53: {  	[tilespmem:s15], [sflag:$0x1] =	stream.indirect.gather @!p1 [spmem:s2], $0x80, s0, s14, $0xb8;
	[tilespmem:$0x17220] =	vst v63  }
0x54: {  	_ =	swait.ge [sflag:s22], $0x4000  }
0x55: {  	[sflag:s22] =	ssyncset.done $0x0  }
0x56: {  	s31 =	sadd.s32 s29, s7;
	[sflag:s22] =	ssyncadd.s32 $0xFFFFC000  }
0x57: {  	[hbm4b:s31+s3] =	stream.linear.scatter [tilespmem:s21], [sflag:$0x2], $0x4000, $0x38;
	[tilespmem:$0x17220] =	vst v63  }
0x58: {  	_ =	swait.ge [sflag:s25], $0x4000  }
0x59: {  	[sflag:s25] =	ssyncset.done $0x0  }
0x5a: {  	s15 =	sor.u32 @!p1 $0x400, s0;
	s31 =	simm.s32 @!p1 $0xB220;
	[sflag:s25] =	ssyncadd.s32 $0xFFFFC000  }
0x5b: {  	[tilespmem:s31], [sflag:$0x1] =	stream.indirect.gather @!p1 [spmem:s2], $0x80, s15, s14, $0xb8;
	[tilespmem:$0x17220] =	vst v63  }
0x5c: {  	s31 =	sadd.s32 s29, s6;
	s29 =	sadd.s32 @!p1 $0x40000, s29;
	_ =	swait.ge [sflag:s22], $0x4000  }
0x5d: {  	p2 =	sne.s32 @!p1 s29, $0xC80000;
	[sflag:s22] =	ssyncset.done $0x0  }
0x5e: {  	p2 =	por p1, !p2;
	[sflag:s22] =	ssyncadd.s32 $0xFFFFC000  }
0x5f: {  	[hbm4b:s31+s3] =	stream.linear.scatter [tilespmem:s24], [sflag:$0x2], $0x4000, $0x38;
	[tilespmem:$0x17220] =	vst v63  }
.Ltmp1:
0x60: {  	_ = 	snop;
	(pc) =	sbr.rel @!p2 .LBB2_4-.Ltmp1, $4  }
0x61: {  	_ =	swait.ge [sflag:s25], $0x4000  }
0x62: {  	s30 =	sadd.s32 @!p1 $0x200, s30;
	s28 =	sadd.s32 @!p1 $0x80, s28;
	[sflag:s25] =	ssyncset.done $0x0  }
0x63: {  	s0 =	sor.u32 @!p1 $0x800, s0;
	s15 =	simm.s32 @!p1 $0xF220;
	[sflag:s25] =	ssyncadd.s32 $0xFFFFC000  }
0x64: {  	[tilespmem:s15], [sflag:$0x1] =	stream.indirect.gather @!p1 [spmem:s2], $0x80, s0, s14, $0xb8;
	[tilespmem:$0x17220] =	vst v63  }
0x65: {  	s26 =	sadd.s32 $0x1, s26  }
0x66: {  	p1 =	sne.s32 s26, s5  }
.Ltmp2:
0x67: {  	_ = 	snop;
	(pc) =	sbr.rel @p1 .LBB2_1-.Ltmp2, $4  }
0x68: {  	_ = 	snop  }
0x69: {  	_ =	swait.ge [sflag:s25], $0x4000  }
0x6a: {  	[sflag:s25] =	ssyncset.done $0x0  }
0x6b: {  	[sflag:s25] =	ssyncadd.s32 $0xFFFFC000  }
0x6c: {  	_ =	sfence.sel $0x180000  }
0x6d: {  	[bflag:$0x0] =	sbarrier.arrive $0xFFFF  }
0x6e: {  	_ =	strace $0x90000047  }
0x6f: {  	[bflag:$0x2] =	sbarrier.arrive $0xFFFF  }
0x70: {  	s0 =	rddreg [dreg:$0x4]  }
0x71: {  	s0 =	sadd.s32 @!p0 $0x100000, s0  }
0x72: {  	[sflag:s0] =	ssyncadd.tile.s32 @!p0 $0x1;
	_ =	shalt  }
.Lfunc_end2:
_tile_overlayer_lowered:
.L_overlay_start_2:
0x73: {  	(tag) =	ssettag $0x2  }
0x74: {  	s0 =	rddreg [dreg:$0x0];
	s2 =	stileid.u32  }
0x75: {  	s1 =	rddreg [dreg:$0x1];
	p0 =	sne.s32 s2, $0x0  }
0x76: {  	s3 =	rddreg [dreg:$0x2];
	[bflag:$0x3] =	sbarrier.arrive $0xFFFF;
	s2 =	simm.s32 @!p0 $0x1C03  }
0x77: {  	[timem:s3], [sflag:s2] =	dma.local @!p0 [hbm:s0], s1  }
0x78: {  	s0 =	simm.s32 @!p0 $0x3  }
0x79: {  	_ =	swait.ge @!p0 [sflag:s0], s1  }
0x7a: {  	s1 =	ssub.s32 @!p0 $0x0, s1;
	[sflag:s0] =	ssyncset.done @!p0 $0x0  }
0x7b: {  	[sflag:s0] =	ssyncadd.s32 @!p0 s1  }
0x7c: {  	[bflag:$0x3] =	sbarrier.arrive $0xFFFF  }
0x7d: {  	_ =	shalt  }

</sc_bundles>
